<compile_context>
chip_gen: v7x
topology: tpu7x:2x2x1
jax: 0.10.2.dev20260603
libtpu: 0.0.44.dev20260713+nightly
codegen_flags: <defaults>
</compile_context>

<pallas_src>
import functools

import jax
import jax.numpy as jnp
from jax import lax
from jax.experimental import pallas as pl
from jax.experimental.pallas import tpu as pltpu
from jax.experimental.pallas import tpu_sc as plsc

_C1 = 0.7978845608028654
_C3 = 0.044715
_C13 = _C1 * _C3

SEGS_PER_STEP = 2


def _make_coords_copy(n):
    info = plsc.get_sparse_core_info()
    nw = info.num_cores * info.num_subcores
    per_w = n // nw
    mesh = plsc.VectorSubcoreMesh(core_axis_name="c", subcore_axis_name="s")

    @functools.partial(
        pl.kernel, mesh=mesh,
        out_type=jax.ShapeDtypeStruct((n,), jnp.int32),
        scratch_types=[pltpu.VMEM((per_w,), jnp.int32)],
    )
    def k(c_hbm, out_hbm, buf):
        wid = lax.axis_index("s") * info.num_cores + lax.axis_index("c")
        base = wid * per_w
        pltpu.sync_copy(c_hbm.at[pl.ds(base, per_w)], buf)
        pltpu.sync_copy(buf, out_hbm.at[pl.ds(base, per_w)])

    return k


def _mlp_kernel(x_ref, s_ref, t_ref, cond_ref, lab_ref, segw_ref,
                win_ref, wsh_ref, wcond_ref, wout_ref, of_ref,
                bias_scr):
    i = pl.program_id(0)
    L = x_ref.shape[0] // SEGS_PER_STEP

    @pl.when(i == 0)
    def _():
        bias_scr[...] = jnp.dot(cond_ref[...], wcond_ref[...],
                                preferred_element_type=jnp.float32)

    n_pos = jnp.sum((lab_ref[...] == 1).astype(jnp.float32))
    pe = segw_ref[...] * (n_pos * 0.1)
    wis = jnp.concatenate([win_ref[...], wsh_ref[...]], axis=0)
    wo = (wout_ref[...] * 0.5).astype(jnp.bfloat16)
    ones_col = jnp.ones((L, 1), jnp.bfloat16)

    for j in range(SEGS_PER_STEP):
        scale = 1.0 + t_ref[j, 0, 0]
        rows = pl.ds(j * L, L)
        b2s = (bias_scr[pl.ds(i * SEGS_PER_STEP + j, 1), :] + pe) * scale
        w_aug = jnp.concatenate(
            [(wis * scale).astype(jnp.bfloat16), b2s.astype(jnp.bfloat16)],
            axis=0)
        xs = jnp.concatenate([x_ref[rows, :].astype(jnp.bfloat16),
                              s_ref[rows, :].astype(jnp.bfloat16),
                              ones_col], axis=1)
        g = jnp.dot(xs, w_aug,
                    preferred_element_type=jnp.float32).astype(jnp.bfloat16)
        gg = g * g
        u = jnp.tanh(g * (jnp.bfloat16(_C1) + jnp.bfloat16(_C13) * gg))
        a = g * u + g
        of_ref[rows, :] = jnp.dot(a, wo, preferred_element_type=jnp.float32)


def kernel(x_t_feats, x_t_coords, tex_feats, tex_coords, shape_feats,
           shape_coords, t, cond, point_feats, point_coords, point_labels,
           coords_len_list, seg_weight, W_in, W_shape, W_cond, W_out):
    nseg = coords_len_list.shape[0]
    ntok, d = x_t_feats.shape
    dm = W_in.shape[1]
    dc = cond.shape[1]
    nstep = nseg // SEGS_PER_STEP
    rows_per_step = ntok // nstep

    t2 = t.reshape(nseg, 1, 1).astype(jnp.float32)
    labels = point_labels.reshape(1, -1).astype(jnp.int32)

    outs_f = pl.pallas_call(
        _mlp_kernel,
        grid=(nstep,),
        in_specs=[
            pl.BlockSpec((rows_per_step, d), lambda i: (i, 0)),
            pl.BlockSpec((rows_per_step, d), lambda i: (i, 0)),
            pl.BlockSpec((SEGS_PER_STEP, 1, 1), lambda i: (i, 0, 0)),
            pl.BlockSpec((nseg, dc), lambda i: (0, 0)),
            pl.BlockSpec(labels.shape, lambda i: (0, 0)),
            pl.BlockSpec((1, dm), lambda i: (0, 0)),
            pl.BlockSpec((d, dm), lambda i: (0, 0)),
            pl.BlockSpec((d, dm), lambda i: (0, 0)),
            pl.BlockSpec((dc, dm), lambda i: (0, 0)),
            pl.BlockSpec((dm, d), lambda i: (0, 0)),
        ],
        out_specs=pl.BlockSpec((rows_per_step, d), lambda i: (i, 0)),
        out_shape=jax.ShapeDtypeStruct((ntok, d), jnp.float32),
        scratch_shapes=[pltpu.VMEM((nseg, dm), jnp.float32)],
    )(x_t_feats, shape_feats, t2, cond, labels, seg_weight,
      W_in, W_shape, W_cond, W_out)
    outs_c = _make_coords_copy(ntok * 4)(
        x_t_coords.reshape(-1)).reshape(ntok, 4)
    return outs_f, outs_c

# --- scband reference (transcript-rebuilt; emitter-appended) ---
"""Pipeline reference for scband-gen3-dseg-interactive-54434415509748 (READ-ONLY COPY).

The authoritative reference and input builder live on the scoring server;
editing this copy changes nothing except your own understanding.
"""

import jax, jax.numpy as jnp
import numpy as np

B = 8
L = 1024
T = B * L
D = 16
DM = 1536
DC = 1024

def setup_inputs(seed: int = 0) -> dict:
    key = jax.random.key(seed)
    ks = jax.random.split(key, 16)
    return {
        "x_t_feats": jax.random.normal(ks[0], (T, D), jnp.float32),
        "x_t_coords": jax.random.randint(ks[1], (T, 4), 0, 64, dtype=jnp.int32),
        "tex_feats": jax.random.normal(ks[2], (T, D), jnp.float32),
        "tex_coords": jax.random.randint(ks[3], (T, 4), 0, 64, dtype=jnp.int32),
        "shape_feats": jax.random.normal(ks[4], (T, D), jnp.float32),
        "shape_coords": jax.random.randint(ks[5], (T, 4), 0, 64, dtype=jnp.int32),
        "t": jax.random.uniform(ks[6], (B,), jnp.float32),
        "cond": jax.random.normal(ks[7], (B, DC), jnp.float32),
        "point_feats": jax.random.normal(ks[8], (10, D), jnp.float32),
        "point_coords": jax.random.randint(ks[9], (10, 4), 0, 64, dtype=jnp.int32),
        "point_labels": jax.random.randint(ks[10], (10, 1), 0, 2, dtype=jnp.int64),
        "coords_len_list": jnp.full((B,), L, dtype=jnp.int32),
        "seg_weight": jax.random.normal(ks[11], (1, DM), jnp.float32) * 0.02,
        "W_in": jax.random.normal(ks[12], (D, DM), jnp.float32) * 0.02,
        "W_shape": jax.random.normal(ks[13], (D, DM), jnp.float32) * 0.02,
        "W_cond": jax.random.normal(ks[14], (DC, DM), jnp.float32) * 0.02,
        "W_out": jax.random.normal(ks[15], (DM, D), jnp.float32) * 0.02,
    }


def reference(x_t_feats, x_t_coords, tex_feats, tex_coords, shape_feats, shape_coords,
              t, cond, point_feats, point_coords, point_labels, coords_len_list,
              seg_weight, W_in, W_shape, W_cond, W_out):
    nseg = coords_len_list.shape[0]
    ntok, d = x_t_feats.shape
    seg_len = ntok // nseg
    # --- interleave x_t / tex per ragged segment (faithful to torch forward) ---
    in_feats = jnp.stack(
        [x_t_feats.reshape(nseg, seg_len, d), tex_feats.reshape(nseg, seg_len, d)],
        axis=1).reshape(2 * ntok, d)
    in_coords = jnp.stack(
        [x_t_coords.reshape(nseg, seg_len, 4), tex_coords.reshape(nseg, seg_len, 4)],
        axis=1).reshape(2 * ntok, 4)
    shf = jnp.stack(
        [shape_feats.reshape(nseg, seg_len, d), shape_feats.reshape(nseg, seg_len, d)],
        axis=1).reshape(2 * ntok, d)
    # --- get_positional_encoding: rows with label==1 get the seg embedding ---
    labels = point_labels[:, 0]
    pe = jnp.where((labels == 1)[:, None], seg_weight, jnp.zeros_like(seg_weight))  # [10, DM]
    # --- stub flow model: token MLP conditioned on t, cond, point embeds ---
    seg_ids = jnp.repeat(jnp.arange(nseg), 2 * coords_len_list,
                         total_repeat_length=2 * ntok)
    h = in_feats @ W_in + shf @ W_shape                 # [2T, DM]
    h = h + (cond @ W_cond)[seg_ids]
    h = h + jnp.mean(pe, axis=0)
    h = h * (1.0 + t)[seg_ids][:, None]
    h = jax.nn.gelu(h)
    out_feats = h @ W_out                               # [2T, D]
    # --- take the first coords_len of each 2*coords_len chunk ---
    outs_f = out_feats.reshape(nseg, 2, seg_len, d)[:, 0].reshape(ntok, d)
    outs_c = in_coords.reshape(nseg, 2, seg_len, 4)[:, 0].reshape(ntok, 4)
    return outs_f, outs_c

if __name__ == "__main__":
    import jax
    _d = setup_inputs()
    print(jax.jit(kernel)(*tuple(_d.values())))

</pallas_src>

<mosaic_0001>
#map = affine_map<(d0, d1) -> (0)>
module attributes {stable_mosaic.version = 14 : i64} {
  func.func @k(%arg0: i32, %arg1: i32, %arg2: memref<32768xi32, #tpu.memory_space<hbm>>, %arg3: memref<32768xi32, #tpu.memory_space<hbm>>, %arg4: memref<1024xi32, #tpu.memory_space<vmem>>) attributes {dimension_semantics = [#tpu.dimension_semantics<core_parallel>, #tpu.dimension_semantics<subcore_parallel>], iteration_bounds = array<i64: 2, 16>, scalar_prefetch = 0 : i64, scratch_operands = 1 : i64, tpu.core_type = #tpu.core_type<sc_vector_subcore>, window_params = [{transform_indices = #map}, {transform_indices = #map}]} {
    %mul3A = arith.constant 2 : i32
    %mul3A_0 = arith.muli %arg1, %mul3A : i32
    %add3A = arith.addi %mul3A_0, %arg0 : i32
    %mul3A_1 = arith.constant 1024 : i32
    %mul3A_2 = arith.muli %add3A, %mul3A_1 : i32
    "tpu.region"() ({
      %run_scoped3A = tpu.sem_alloc : memref<!tpu.dma_semaphore, #tpu.memory_space<semaphore_mem>>
      %dma_start3A = tpu.memref_slice %arg2[%mul3A_2] : memref<32768xi32, #tpu.memory_space<hbm>> -> memref<1024xi32, #tpu.memory_space<hbm>>
      %dma_start3A_3 = tpu.memref_slice %arg2[%mul3A_2] : memref<32768xi32, #tpu.memory_space<hbm>> -> memref<1024xi32, #tpu.memory_space<hbm>>
      tpu.enqueue_dma source(%dma_start3A_3 : memref<1024xi32, #tpu.memory_space<hbm>>) target(%arg4 : memref<1024xi32, #tpu.memory_space<vmem>>) target_semaphore(%run_scoped3A : memref<!tpu.dma_semaphore, #tpu.memory_space<semaphore_mem>>)
      %dma_wait3A = tpu.memref_slice %arg2[%mul3A_2] : memref<32768xi32, #tpu.memory_space<hbm>> -> memref<1024xi32, #tpu.memory_space<hbm>>
      %dma_wait3A_4 = tpu.memref_slice %arg2[%mul3A_2] : memref<32768xi32, #tpu.memory_space<hbm>> -> memref<1024xi32, #tpu.memory_space<hbm>>
      tpu.wait_dma2 semaphore(%run_scoped3A : memref<!tpu.dma_semaphore, #tpu.memory_space<semaphore_mem>>) src(%dma_wait3A_4 : memref<1024xi32, #tpu.memory_space<hbm>>) dst(%arg4 : memref<1024xi32, #tpu.memory_space<vmem>>)
      tpu.yield
    }) : () -> ()
    "tpu.region"() ({
      %run_scoped3A = tpu.sem_alloc : memref<!tpu.dma_semaphore, #tpu.memory_space<semaphore_mem>>
      %dma_start3A = tpu.memref_slice %arg3[%mul3A_2] : memref<32768xi32, #tpu.memory_space<hbm>> -> memref<1024xi32, #tpu.memory_space<hbm>>
      %dma_start3A_3 = tpu.memref_slice %arg3[%mul3A_2] : memref<32768xi32, #tpu.memory_space<hbm>> -> memref<1024xi32, #tpu.memory_space<hbm>>
      tpu.enqueue_dma source(%arg4 : memref<1024xi32, #tpu.memory_space<vmem>>) target(%dma_start3A_3 : memref<1024xi32, #tpu.memory_space<hbm>>) target_semaphore(%run_scoped3A : memref<!tpu.dma_semaphore, #tpu.memory_space<semaphore_mem>>)
      %dma_wait3A = tpu.memref_slice %arg3[%mul3A_2] : memref<32768xi32, #tpu.memory_space<hbm>> -> memref<1024xi32, #tpu.memory_space<hbm>>
      %dma_wait3A_4 = tpu.memref_slice %arg3[%mul3A_2] : memref<32768xi32, #tpu.memory_space<hbm>> -> memref<1024xi32, #tpu.memory_space<hbm>>
      tpu.wait_dma2 semaphore(%run_scoped3A : memref<!tpu.dma_semaphore, #tpu.memory_space<semaphore_mem>>) src(%arg4 : memref<1024xi32, #tpu.memory_space<vmem>>) dst(%dma_wait3A_4 : memref<1024xi32, #tpu.memory_space<hbm>>)
      tpu.yield
    }) : () -> ()
    return
  }
}

module attributes {stable_mosaic.version = 14 : i64} {
  func.func @_mlp_kernel(%arg0: i32, %arg1: memref<2048x16xf32, #tpu.memory_space<vmem>>, %arg2: memref<2048x16xf32, #tpu.memory_space<vmem>>, %arg3: memref<2x1x1xf32, #tpu.memory_space<vmem>>, %arg4: memref<8x1024xf32, #tpu.memory_space<vmem>>, %arg5: memref<1x10xi32, #tpu.memory_space<vmem>>, %arg6: memref<1x1536xf32, #tpu.memory_space<vmem>>, %arg7: memref<16x1536xf32, #tpu.memory_space<vmem>>, %arg8: memref<16x1536xf32, #tpu.memory_space<vmem>>, %arg9: memref<1024x1536xf32, #tpu.memory_space<vmem>>, %arg10: memref<1536x16xf32, #tpu.memory_space<vmem>>, %arg11: memref<2048x16xf32, #tpu.memory_space<vmem>>, %arg12: memref<8x1536xf32, #tpu.memory_space<vmem>>) attributes {dimension_semantics = [#tpu.dimension_semantics<arbitrary>], iteration_bounds = array<i64: 4>, scalar_prefetch = 0 : i64, scratch_operands = 1 : i64, tpu.core_type = #tpu.core_type<tc>, window_params = [{transform_indices = @transform_0, window_bounds = array<i64: 2048, 16>}, {transform_indices = @transform_1, window_bounds = array<i64: 2048, 16>}, {transform_indices = @transform_2, window_bounds = array<i64: 2, 1, 1>}, {pipeline_mode = #tpu.pipeline_mode<synchronous>, transform_indices = @transform_3, window_bounds = array<i64: 8, 1024>}, {pipeline_mode = #tpu.pipeline_mode<synchronous>, transform_indices = @transform_4, window_bounds = array<i64: 1, 10>}, {pipeline_mode = #tpu.pipeline_mode<synchronous>, transform_indices = @transform_5, window_bounds = array<i64: 1, 1536>}, {pipeline_mode = #tpu.pipeline_mode<synchronous>, transform_indices = @transform_6, window_bounds = array<i64: 16, 1536>}, {pipeline_mode = #tpu.pipeline_mode<synchronous>, transform_indices = @transform_7, window_bounds = array<i64: 16, 1536>}, {pipeline_mode = #tpu.pipeline_mode<synchronous>, transform_indices = @transform_8, window_bounds = array<i64: 1024, 1536>}, {pipeline_mode = #tpu.pipeline_mode<synchronous>, transform_indices = @transform_9, window_bounds = array<i64: 1536, 16>}, {transform_indices = @transform_10, window_bounds = array<i64: 2048, 16>}]} {
    %eq3A = arith.constant 0 : i32
    %eq3A_0 = arith.cmpi eq, %arg0, %eq3A : i32
    %convert_element_type3A = arith.extui %eq3A_0 : i1 to i32
    %cond3A = arith.constant 0 : i32
    %cond3A_1 = arith.cmpi ne, %convert_element_type3A, %cond3A : i32
    scf.if %cond3A_1 {
      %get3A_129 = arith.constant 0 : index
      %get3A_130 = arith.constant 0 : index
      %get3A_131 = vector.load %arg4[%get3A_129, %get3A_130] : memref<8x1024xf32, #tpu.memory_space<vmem>>, vector<8x1024xf32>
      %get3A_132 = arith.constant 0 : index
      %get3A_133 = arith.constant 0 : index
      %get3A_134 = vector.load %arg9[%get3A_132, %get3A_133] : memref<1024x1536xf32, #tpu.memory_space<vmem>>, vector<1024x1536xf32>
      %dot_general3A_135 = arith.constant dense<0.000000e+00> : vector<8x1536xf32>
      %dot_general3A_136 = tpu.matmul %get3A_131, %get3A_134, %dot_general3A_135 {dimension_numbers = #tpu.dot_dimension_numbers<[1], [0], [0], [1], [0, 0, 1, 1], [], []>, transpose_lhs_hint = false} : vector<8x1024xf32>, vector<1024x1536xf32>, vector<8x1536xf32> -> vector<8x1536xf32>
      %swap3A_137 = arith.constant 0 : index
      %swap3A_138 = arith.constant 0 : index
      %swap3A_139 = vector.load %arg12[%swap3A_137, %swap3A_138] : memref<8x1536xf32, #tpu.memory_space<vmem>>, vector<8x1536xf32>
      tpu.vector_store %arg12[%swap3A_137, %swap3A_138], %dot_general3A_136 {strides = array<i32>} : memref<8x1536xf32, #tpu.memory_space<vmem>>, vector<8x1536xf32>,
    } else {
    }
    %get3A = arith.constant 0 : index
    %get3A_2 = arith.constant 0 : index
    %get3A_3 = vector.load %arg5[%get3A, %get3A_2] : memref<1x10xi32, #tpu.memory_space<vmem>>, vector<1x10xi32>
    %eq3A_4 = arith.constant 1 : i32
    %eq3A_5 = vector.broadcast %eq3A_4 : i32 to vector<1x10xi32>
    %eq3A_6 = arith.cmpi eq, %get3A_3, %eq3A_5 : vector<1x10xi32>
    %convert_element_type3A_7 = arith.extui %eq3A_6 : vector<1x10xi1> to vector<1x10xi32>
    %convert_element_type3A_8 = arith.sitofp %convert_element_type3A_7 : vector<1x10xi32> to vector<1x10xf32>
    %reduce_sum3A = vector.shape_cast %convert_element_type3A_8 : vector<1x10xf32> to vector<1x1x10xf32>
    %reduce_sum3A_9 = arith.constant dense<0.000000e+00> : vector<1xf32>
    %reduce_sum3A_10 = vector.multi_reduction <add>, %reduce_sum3A, %reduce_sum3A_9 [1, 2] : vector<1x1x10xf32> to vector<1xf32>
    %reduce_sum3A_11 = vector.shape_cast %reduce_sum3A_10 : vector<1xf32> to vector<1x1x1xf32>
    %reduce_sum3A_12 = vector.extract %reduce_sum3A_11[0, 0, 0] : f32 from vector<1x1x1xf32>
    %get3A_13 = arith.constant 0 : index
    %get3A_14 = arith.constant 0 : index
    %get3A_15 = vector.load %arg6[%get3A_13, %get3A_14] : memref<1x1536xf32, #tpu.memory_space<vmem>>, vector<1x1536xf32>
    %mul3A = arith.constant 1.000000e-01 : f32
    %mul3A_16 = arith.mulf %reduce_sum3A_12, %mul3A : f32
    %mul3A_17 = vector.broadcast %mul3A_16 : f32 to vector<1x1536xf32>
    %mul3A_18 = arith.mulf %get3A_15, %mul3A_17 : vector<1x1536xf32>
    %get3A_19 = arith.constant 0 : index
    %get3A_20 = arith.constant 0 : index
    %get3A_21 = vector.load %arg7[%get3A_19, %get3A_20] : memref<16x1536xf32, #tpu.memory_space<vmem>>, vector<16x1536xf32>
    %get3A_22 = arith.constant 0 : index
    %get3A_23 = arith.constant 0 : index
    %get3A_24 = vector.load %arg8[%get3A_22, %get3A_23] : memref<16x1536xf32, #tpu.memory_space<vmem>>, vector<16x1536xf32>
    %concatenate3A = tpu.concatenate %get3A_21, %get3A_24 in 0 : vector<16x1536xf32>, vector<16x1536xf32> -> vector<32x1536xf32>
    %get3A_25 = arith.constant 0 : index
    %get3A_26 = arith.constant 0 : index
    %get3A_27 = vector.load %arg10[%get3A_25, %get3A_26] : memref<1536x16xf32, #tpu.memory_space<vmem>>, vector<1536x16xf32>
    %mul3A_28 = arith.constant 5.000000e-01 : f32
    %mul3A_29 = vector.broadcast %mul3A_28 : f32 to vector<1536x16xf32>
    %mul3A_30 = arith.mulf %get3A_27, %mul3A_29 : vector<1536x16xf32>
    %convert_element_type3A_31 = arith.truncf %mul3A_30 : vector<1536x16xf32> to vector<1536x16xbf16>
    %broadcast_in_dim3A = arith.constant 1.000000e+00 : bf16
    %broadcast_in_dim3A_32 = vector.broadcast %broadcast_in_dim3A : bf16 to vector<1024x1xbf16>
    %get3A_33 = arith.constant 0 : index
    %get3A_34 = arith.constant 0 : index
    %get3A_35 = arith.constant 0 : index
    %get3A_36 = vector.load %arg3[%get3A_33, %get3A_34, %get3A_35] : memref<2x1x1xf32, #tpu.memory_space<vmem>>, vector<1x1x1xf32>
    %get3A_37 = vector.extract %get3A_36[0, 0, 0] : f32 from vector<1x1x1xf32>
    %add3A = arith.constant 1.000000e+00 : f32
    %add3A_38 = arith.addf %add3A, %get3A_37 : f32
    %mul3A_39 = arith.constant 2 : i32
    %mul3A_40 = arith.muli %arg0, %mul3A_39 : i32
    %add3A_41 = arith.constant 0 : i32
    %add3A_42 = arith.addi %mul3A_40, %add3A_41 : i32
    %get3A_43 = arith.index_cast %add3A_42 : i32 to index
    %get3A_44 = arith.constant 0 : index
    %get3A_45 = vector.load %arg12[%get3A_43, %get3A_44] : memref<8x1536xf32, #tpu.memory_space<vmem>>, vector<1x1536xf32>
    %add3A_46 = arith.addf %get3A_45, %mul3A_18 : vector<1x1536xf32>
    %mul3A_47 = vector.broadcast %add3A_38 : f32 to vector<1x1536xf32>
    %mul3A_48 = arith.mulf %add3A_46, %mul3A_47 : vector<1x1536xf32>
    %mul3A_49 = vector.broadcast %add3A_38 : f32 to vector<32x1536xf32>
    %mul3A_50 = arith.mulf %concatenate3A, %mul3A_49 : vector<32x1536xf32>
    %convert_element_type3A_51 = arith.truncf %mul3A_50 : vector<32x1536xf32> to vector<32x1536xbf16>
    %convert_element_type3A_52 = arith.truncf %mul3A_48 : vector<1x1536xf32> to vector<1x1536xbf16>
    %concatenate3A_53 = tpu.concatenate %convert_element_type3A_51, %convert_element_type3A_52 in 0 : vector<32x1536xbf16>, vector<1x1536xbf16> -> vector<33x1536xbf16>
    %get3A_54 = arith.constant 0 : index
    %get3A_55 = arith.constant 0 : index
    %get3A_56 = vector.load %arg1[%get3A_54, %get3A_55] : memref<2048x16xf32, #tpu.memory_space<vmem>>, vector<1024x16xf32>
    %convert_element_type3A_57 = arith.truncf %get3A_56 : vector<1024x16xf32> to vector<1024x16xbf16>
    %get3A_58 = arith.constant 0 : index
    %get3A_59 = arith.constant 0 : index
    %get3A_60 = vector.load %arg2[%get3A_58, %get3A_59] : memref<2048x16xf32, #tpu.memory_space<vmem>>, vector<1024x16xf32>
    %convert_element_type3A_61 = arith.truncf %get3A_60 : vector<1024x16xf32> to vector<1024x16xbf16>
    %concatenate3A_62 = tpu.concatenate %convert_element_type3A_57, %convert_element_type3A_61, %broadcast_in_dim3A_32 in 1 : vector<1024x16xbf16>, vector<1024x16xbf16>, vector<1024x1xbf16> -> vector<1024x33xbf16>
    %dot_general3A = arith.constant dense<0.000000e+00> : vector<1024x1536xf32>
    %dot_general3A_63 = tpu.matmul %concatenate3A_62, %concatenate3A_53, %dot_general3A {dimension_numbers = #tpu.dot_dimension_numbers<[1], [0], [0], [1], [0, 0, 1, 1], [], []>, transpose_lhs_hint = false} : vector<1024x33xbf16>, vector<33x1536xbf16>, vector<1024x1536xf32> -> vector<1024x1536xf32>
    %convert_element_type3A_64 = arith.truncf %dot_general3A_63 : vector<1024x1536xf32> to vector<1024x1536xbf16>
    %mul3A_65 = arith.mulf %convert_element_type3A_64, %convert_element_type3A_64 : vector<1024x1536xbf16>
    %mul3A_66 = arith.constant 3.564450e-02 : bf16
    %mul3A_67 = vector.broadcast %mul3A_66 : bf16 to vector<1024x1536xbf16>
    %mul3A_68 = arith.mulf %mul3A_67, %mul3A_65 : vector<1024x1536xbf16>
    %add3A_69 = arith.constant 7.968750e-01 : bf16
    %add3A_70 = vector.broadcast %add3A_69 : bf16 to vector<1024x1536xbf16>
    %add3A_71 = arith.addf %add3A_70, %mul3A_68 : vector<1024x1536xbf16>
    %mul3A_72 = arith.mulf %convert_element_type3A_64, %add3A_71 : vector<1024x1536xbf16>
    %tanh3A = math.tanh %mul3A_72 : vector<1024x1536xbf16>
    %mul3A_73 = arith.mulf %convert_element_type3A_64, %tanh3A : vector<1024x1536xbf16>
    %add3A_74 = arith.addf %mul3A_73, %convert_element_type3A_64 : vector<1024x1536xbf16>
    %dot_general3A_75 = arith.constant dense<0.000000e+00> : vector<1024x16xf32>
    %dot_general3A_76 = tpu.matmul %add3A_74, %convert_element_type3A_31, %dot_general3A_75 {dimension_numbers = #tpu.dot_dimension_numbers<[1], [0], [0], [1], [0, 0, 1, 1], [], []>, transpose_lhs_hint = false} : vector<1024x1536xbf16>, vector<1536x16xbf16>, vector<1024x16xf32> -> vector<1024x16xf32>
    %swap3A = arith.constant 0 : index
    %swap3A_77 = arith.constant 0 : index
    %swap3A_78 = vector.load %arg11[%swap3A, %swap3A_77] : memref<2048x16xf32, #tpu.memory_space<vmem>>, vector<1024x16xf32>
    tpu.vector_store %arg11[%swap3A, %swap3A_77], %dot_general3A_76 {strides = array<i32>} : memref<2048x16xf32, #tpu.memory_space<vmem>>, vector<1024x16xf32>,
    %get3A_79 = arith.constant 1 : index
    %get3A_80 = arith.constant 0 : index
    %get3A_81 = arith.constant 0 : index
    %get3A_82 = vector.load %arg3[%get3A_79, %get3A_80, %get3A_81] : memref<2x1x1xf32, #tpu.memory_space<vmem>>, vector<1x1x1xf32>
    %get3A_83 = vector.extract %get3A_82[0, 0, 0] : f32 from vector<1x1x1xf32>
    %add3A_84 = arith.constant 1.000000e+00 : f32
    %add3A_85 = arith.addf %add3A_84, %get3A_83 : f32
    %mul3A_86 = arith.constant 2 : i32
    %mul3A_87 = arith.muli %arg0, %mul3A_86 : i32
    %add3A_88 = arith.constant 1 : i32
    %add3A_89 = arith.addi %mul3A_87, %add3A_88 : i32
    %get3A_90 = arith.index_cast %add3A_89 : i32 to index
    %get3A_91 = arith.constant 0 : index
    %get3A_92 = vector.load %arg12[%get3A_90, %get3A_91] : memref<8x1536xf32, #tpu.memory_space<vmem>>, vector<1x1536xf32>
    %add3A_93 = arith.addf %get3A_92, %mul3A_18 : vector<1x1536xf32>
    %mul3A_94 = vector.broadcast %add3A_85 : f32 to vector<1x1536xf32>
    %mul3A_95 = arith.mulf %add3A_93, %mul3A_94 : vector<1x1536xf32>
    %mul3A_96 = vector.broadcast %add3A_85 : f32 to vector<32x1536xf32>
    %mul3A_97 = arith.mulf %concatenate3A, %mul3A_96 : vector<32x1536xf32>
    %convert_element_type3A_98 = arith.truncf %mul3A_97 : vector<32x1536xf32> to vector<32x1536xbf16>
    %convert_element_type3A_99 = arith.truncf %mul3A_95 : vector<1x1536xf32> to vector<1x1536xbf16>
    %concatenate3A_100 = tpu.concatenate %convert_element_type3A_98, %convert_element_type3A_99 in 0 : vector<32x1536xbf16>, vector<1x1536xbf16> -> vector<33x1536xbf16>
    %get3A_101 = arith.constant 1024 : index
    %get3A_102 = arith.constant 0 : index
    %get3A_103 = vector.load %arg1[%get3A_101, %get3A_102] : memref<2048x16xf32, #tpu.memory_space<vmem>>, vector<1024x16xf32>
    %convert_element_type3A_104 = arith.truncf %get3A_103 : vector<1024x16xf32> to vector<1024x16xbf16>
    %get3A_105 = arith.constant 1024 : index
    %get3A_106 = arith.constant 0 : index
    %get3A_107 = vector.load %arg2[%get3A_105, %get3A_106] : memref<2048x16xf32, #tpu.memory_space<vmem>>, vector<1024x16xf32>
    %convert_element_type3A_108 = arith.truncf %get3A_107 : vector<1024x16xf32> to vector<1024x16xbf16>
    %concatenate3A_109 = tpu.concatenate %convert_element_type3A_104, %convert_element_type3A_108, %broadcast_in_dim3A_32 in 1 : vector<1024x16xbf16>, vector<1024x16xbf16>, vector<1024x1xbf16> -> vector<1024x33xbf16>
    %dot_general3A_110 = arith.constant dense<0.000000e+00> : vector<1024x1536xf32>
    %dot_general3A_111 = tpu.matmul %concatenate3A_109, %concatenate3A_100, %dot_general3A_110 {dimension_numbers = #tpu.dot_dimension_numbers<[1], [0], [0], [1], [0, 0, 1, 1], [], []>, transpose_lhs_hint = false} : vector<1024x33xbf16>, vector<33x1536xbf16>, vector<1024x1536xf32> -> vector<1024x1536xf32>
    %convert_element_type3A_112 = arith.truncf %dot_general3A_111 : vector<1024x1536xf32> to vector<1024x1536xbf16>
    %mul3A_113 = arith.mulf %convert_element_type3A_112, %convert_element_type3A_112 : vector<1024x1536xbf16>
    %mul3A_114 = arith.constant 3.564450e-02 : bf16
    %mul3A_115 = vector.broadcast %mul3A_114 : bf16 to vector<1024x1536xbf16>
    %mul3A_116 = arith.mulf %mul3A_115, %mul3A_113 : vector<1024x1536xbf16>
    %add3A_117 = arith.constant 7.968750e-01 : bf16
    %add3A_118 = vector.broadcast %add3A_117 : bf16 to vector<1024x1536xbf16>
    %add3A_119 = arith.addf %add3A_118, %mul3A_116 : vector<1024x1536xbf16>
    %mul3A_120 = arith.mulf %convert_element_type3A_112, %add3A_119 : vector<1024x1536xbf16>
    %tanh3A_121 = math.tanh %mul3A_120 : vector<1024x1536xbf16>
    %mul3A_122 = arith.mulf %convert_element_type3A_112, %tanh3A_121 : vector<1024x1536xbf16>
    %add3A_123 = arith.addf %mul3A_122, %convert_element_type3A_112 : vector<1024x1536xbf16>
    %dot_general3A_124 = arith.constant dense<0.000000e+00> : vector<1024x16xf32>
    %dot_general3A_125 = tpu.matmul %add3A_123, %convert_element_type3A_31, %dot_general3A_124 {dimension_numbers = #tpu.dot_dimension_numbers<[1], [0], [0], [1], [0, 0, 1, 1], [], []>, transpose_lhs_hint = false} : vector<1024x1536xbf16>, vector<1536x16xbf16>, vector<1024x16xf32> -> vector<1024x16xf32>
    %swap3A_126 = arith.constant 1024 : index
    %swap3A_127 = arith.constant 0 : index
    %swap3A_128 = vector.load %arg11[%swap3A_126, %swap3A_127] : memref<2048x16xf32, #tpu.memory_space<vmem>>, vector<1024x16xf32>
    tpu.vector_store %arg11[%swap3A_126, %swap3A_127], %dot_general3A_125 {strides = array<i32>} : memref<2048x16xf32, #tpu.memory_space<vmem>>, vector<1024x16xf32>,
    return
  }
  func.func @transform_0(%arg0: i32) -> (i32, i32) {
    %c0_i32 = arith.constant 0 : i32
    %c0_i32_0 = arith.constant 0 : i32
    return %arg0, %c0_i32 : i32, i32
  }
  func.func @transform_1(%arg0: i32) -> (i32, i32) {
    %c0_i32 = arith.constant 0 : i32
    %c0_i32_0 = arith.constant 0 : i32
    return %arg0, %c0_i32 : i32, i32
  }
  func.func @transform_2(%arg0: i32) -> (i32, i32, i32) {
    %c0_i32 = arith.constant 0 : i32
    %c0_i32_0 = arith.constant 0 : i32
    %c0_i32_1 = arith.constant 0 : i32
    return %arg0, %c0_i32, %c0_i32_0 : i32, i32, i32
  }
  func.func @transform_3(%arg0: i32) -> (i32, i32) {
    %c0_i32 = arith.constant 0 : i32
    %c0_i32_0 = arith.constant 0 : i32
    %c0_i32_1 = arith.constant 0 : i32
    return %c0_i32, %c0_i32_0 : i32, i32
  }
  func.func @transform_4(%arg0: i32) -> (i32, i32) {
    %c0_i32 = arith.constant 0 : i32
    %c0_i32_0 = arith.constant 0 : i32
    %c0_i32_1 = arith.constant 0 : i32
    return %c0_i32, %c0_i32_0 : i32, i32
  }
  func.func @transform_5(%arg0: i32) -> (i32, i32) {
    %c0_i32 = arith.constant 0 : i32
    %c0_i32_0 = arith.constant 0 : i32
    %c0_i32_1 = arith.constant 0 : i32
    return %c0_i32, %c0_i32_0 : i32, i32
  }
  func.func @transform_6(%arg0: i32) -> (i32, i32) {
    %c0_i32 = arith.constant 0 : i32
    %c0_i32_0 = arith.constant 0 : i32
    %c0_i32_1 = arith.constant 0 : i32
    return %c0_i32, %c0_i32_0 : i32, i32
  }
  func.func @transform_7(%arg0: i32) -> (i32, i32) {
    %c0_i32 = arith.constant 0 : i32
    %c0_i32_0 = arith.constant 0 : i32
    %c0_i32_1 = arith.constant 0 : i32
    return %c0_i32, %c0_i32_0 : i32, i32
  }
  func.func @transform_8(%arg0: i32) -> (i32, i32) {
    %c0_i32 = arith.constant 0 : i32
    %c0_i32_0 = arith.constant 0 : i32
    %c0_i32_1 = arith.constant 0 : i32
    return %c0_i32, %c0_i32_0 : i32, i32
  }
  func.func @transform_9(%arg0: i32) -> (i32, i32) {
    %c0_i32 = arith.constant 0 : i32
    %c0_i32_0 = arith.constant 0 : i32
    %c0_i32_1 = arith.constant 0 : i32
    return %c0_i32, %c0_i32_0 : i32, i32
  }
  func.func @transform_10(%arg0: i32) -> (i32, i32) {
    %c0_i32 = arith.constant 0 : i32
    %c0_i32_0 = arith.constant 0 : i32
    return %arg0, %c0_i32 : i32, i32
  }
}

</mosaic_0001>

<sc_bundles>
// kernel: kernel.4.cloned.1.call-start
scs
__scs_entry_jumppad:
0x0: {  	(pc) =	sbr.rel $0x88, $3  }
0x1: {  	(tag) =	ssettag $0x0;
	lr =	simm.s32 $0x1  }
0x2: {  	[smem:$0x3F96] =	sst lr;
	_ =	strace $0xD0000000  }
0x3: {  	_ = 	snop  }
0x4: {  	_ = 	snop  }
0x5: {  	_ = 	snop  }
0x6: {  	_ = 	snop  }
0x7: {  	_ = 	snop  }
__scs_overlays_trampoline_lowered:
0x8: {  	[smem:$0x3FA5] =	sst s0  }
0x9: {  	[smem:$0x3FA6] =	sst s1  }
0xa: {  	[smem:$0x3FA7] =	sst s2  }
0xb: {  	[smem:$0x3FA8] =	sst s3  }
0xc: {  	[smem:$0x3FA9] =	sst s4  }
0xd: {  	[smem:$0x3FAA] =	sst s5  }
0xe: {  	[smem:$0x3FAB] =	sst s6  }
0xf: {  	[smem:$0x3FAC] =	sst s7  }
0x10: {  	[smem:$0x3FAD] =	sst s8  }
0x11: {  	[smem:$0x3FAE] =	sst s9;
	s0 =	simm.s32 @!p0 $0x0  }
0x12: {  	s1 =	sld [smem:$0x3F94];
	s0 =	simm.s32 @p0 $0x1  }
0x13: {  	[smem:$0x3FAF] =	sst s0;
	s0 =	simm.s32 @!p1 $0x0  }
0x14: {  	s2 =	sld [smem:$0x3F93];
	s0 =	simm.s32 @p1 $0x1  }
0x15: {  	[smem:$0x3FB0] =	sst s0;
	s0 =	simm.s32 @!p2 $0x0  }
0x16: {  	s3 =	sld [smem:$0x3FDB];
	s0 =	simm.s32 @p2 $0x1  }
0x17: {  	s4 =	simm.s32 $0x1BF5;
	[smem:$0x3FB2] =	sst s0  }
0x18: {  	s0 =	sld [smem:$0x3F95];
	_ =	swait.ge [sflag:s4], $0x0  }
0x19: {  	s7 =	sld [smem:$0x3F96]  }
0x1a: {  	s8 =	sadd.s32 $0xFFFFE003, lr  }
0x1b: {  	s9 =	sadd.s32 $0xFFFFFEF7, lr;
	s5 =	simm.s32 $0xFFFFFFFF;
	p2 =	slt.u32 s8, $0xFFFFF086  }
0x1c: {  	p1 =	slt.u32 s9, $0xF7A;
	s5 =	simm.s32 @!p2 $0x0  }
0x1d: {  	s5 =	simm.s32 @p1 $0x1;
	p0 =	seq.s32 s7, s2  }
0x1e: {  	s7 =	smul.u32 @!p0 $0xF7A, s2;
	p2 =	seq.s32 @!p0 s5, $0x0  }
0x1f: {  	s9 =	smul.u32 $0xF7A, s1;
	s8 =	simm.s32 @!p0 $0x1BF5;
	p2 =	por !p2, p0  }
0x20: {  	[sflag:s8] =	ssyncset.s32 @!p0 $0xFFFFF086;
	s6 =	sadd.s32 @!p0 s3, s7;
	s7 =	simm.s32 @!p0 $0x108  }
0x21: {  	s3 =	sadd.s32 s3, s9;
	s6 =	sadd.s32 @!p0 $0x88, s6;
	s7 =	simm.s32 @p2 $0x1082  }
0x22: {  	[simem:s7], [sflag:s8] =	dma.local @!p0 [hbm:s6], $0xF7A  }
0x23: {  	s9 =	sor.u32 $0xD0000000, s2;
	s6 =	simm.s32 $0x108;
	_ =	swait.ge @!p0 [sflag:s8], $0x0  }
0x24: {  	s3 =	sadd.s32 $0x88, s3;
	s6 =	simm.s32 @!p1 $0x1082;
	[sflag:s4] =	ssyncset.s32 $0xFFFFF086  }
0x25: {  	[simem:s6], [sflag:s4] =	dma.local [hbm:s3], $0xF7A  }
0x26: {  	[smem:$0x3F96] =	sst s1;
	(tag) =	ssettag s2;
	_ =	strace s9  }
0x27: {  	s1 =	sld [smem:$0x3FA6]  }
0x28: {  	s2 =	sld [smem:$0x3FA7]  }
0x29: {  	s4 =	sld [smem:$0x3FA9]  }
0x2a: {  	p0 =	seq.s32 s5, $0x0;
	s5 =	sld [smem:$0x3FAA]  }
0x2b: {  	s6 =	sld [smem:$0x3FAB]  }
0x2c: {  	s7 =	sld [smem:$0x3FAC]  }
0x2d: {  	s3 =	simm.s32 $0x108;
	s8 =	sld [smem:$0x3FAD]  }
0x2e: {  	s3 =	simm.s32 @!p0 $0x1082;
	s9 =	sld [smem:$0x3FAE]  }
0x2f: {  	lr =	sadd.s32 s0, s3;
	s0 =	sld [smem:$0x3FA5]  }
0x30: {  	s3 =	sld [smem:$0x3FA8]  }
0x31: {  	[smem:$0x3FB1] =	sst s10  }
0x32: {  	s10 =	sld [smem:$0x3FAF];
	_ =	sdelay $0x3  }
0x33: {  	p0 =	seq.s32 s10, $0x1;
	s10 =	sld [smem:$0x3FB1];
	_ =	sdelay $0x3  }
0x34: {  	[smem:$0x3FB1] =	sst s10  }
0x35: {  	s10 =	sld [smem:$0x3FB0];
	_ =	sdelay $0x3  }
0x36: {  	p1 =	seq.s32 s10, $0x1;
	s10 =	sld [smem:$0x3FB1];
	_ =	sdelay $0x3  }
0x37: {  	[smem:$0x3FB1] =	sst s10  }
0x38: {  	s10 =	sld [smem:$0x3FB2]  }
0x39: {  	_ = 	snop;
	(pc) =	sbr.ind lr, $3  }
0x3a: {  	_ = 	snop  }
0x3b: {  	_ = 	snop  }
0x3c: {  	p2 =	seq.s32 s10, $0x1;
	s10 =	sld [smem:$0x3FB1]  }
0x3d: {  	_ =	shalt  }
0x3e: {  	_ =	shalt  }
0x3f: {  	_ =	shalt  }
0x40: {  	_ =	shalt  }
0x41: {  	_ =	shalt  }
0x42: {  	_ =	shalt  }
0x43: {  	_ =	shalt  }
0x44: {  	_ =	shalt  }
0x45: {  	_ =	shalt  }
0x46: {  	_ =	shalt  }
0x47: {  	_ =	shalt  }
0x48: {  	_ =	shalt  }
0x49: {  	_ =	shalt  }
0x4a: {  	_ =	shalt  }
0x4b: {  	_ =	shalt  }
0x4c: {  	_ =	shalt  }
0x4d: {  	_ =	shalt  }
0x4e: {  	_ =	shalt  }
0x4f: {  	_ =	shalt  }
0x50: {  	_ =	shalt  }
0x51: {  	_ =	shalt  }
0x52: {  	_ =	shalt  }
0x53: {  	_ =	shalt  }
0x54: {  	_ =	shalt  }
0x55: {  	_ =	shalt  }
0x56: {  	_ =	shalt  }
0x57: {  	_ =	shalt  }
0x58: {  	_ =	shalt  }
0x59: {  	_ =	shalt  }
0x5a: {  	_ =	shalt  }
0x5b: {  	_ =	shalt  }
0x5c: {  	_ =	shalt  }
0x5d: {  	_ =	shalt  }
0x5e: {  	_ =	shalt  }
0x5f: {  	_ =	shalt  }
0x60: {  	_ =	shalt  }
0x61: {  	_ =	shalt  }
0x62: {  	_ =	shalt  }
0x63: {  	_ =	shalt  }
0x64: {  	_ =	shalt  }
0x65: {  	_ =	shalt  }
0x66: {  	_ =	shalt  }
0x67: {  	_ =	shalt  }
0x68: {  	_ =	shalt  }
0x69: {  	_ =	shalt  }
0x6a: {  	_ =	shalt  }
0x6b: {  	_ =	shalt  }
0x6c: {  	_ =	shalt  }
0x6d: {  	_ =	shalt  }
0x6e: {  	_ =	shalt  }
0x6f: {  	_ =	shalt  }
0x70: {  	_ =	shalt  }
0x71: {  	_ =	shalt  }
0x72: {  	_ =	shalt  }
0x73: {  	_ =	shalt  }
0x74: {  	_ =	shalt  }
0x75: {  	_ =	shalt  }
0x76: {  	_ =	shalt  }
0x77: {  	_ =	shalt  }
0x78: {  	_ =	shalt  }
0x79: {  	_ =	shalt  }
0x7a: {  	_ =	shalt  }
0x7b: {  	_ =	shalt  }
0x7c: {  	_ =	shalt  }
0x7d: {  	_ =	shalt  }
0x7e: {  	_ =	shalt  }
0x7f: {  	_ =	shalt  }
0x80: {  	_ =	shalt  }
0x81: {  	_ =	shalt  }
0x82: {  	_ =	shalt  }
0x83: {  	_ =	shalt  }
0x84: {  	_ =	shalt  }
0x85: {  	_ =	shalt  }
0x86: {  	_ =	shalt  }
0x87: {  	_ =	shalt  }
.Lfunc_end0:
.L_simem_size_0:
called_computation_lowered:
.L_overlay_start_0:
0x88: {  	s2 =	sld [smem:$0x3FD9]  }
0x89: {  	s3 =	sld [smem:$0x3FFE];
	_ =	sdelay $0x1  }
0x8a: {  	s1 =	srdreg.scid  }
0x8b: {  	s0 =	sand.u32 $0x1, s1  }
0x8c: {  	s14 =	sshll.u32 s0, $0xA;
	s2 =	sadd.s32 s3, s2  }
0x8d: {  	s2 =	sadd.s32 s2, s14  }
0x8e: {  	[smem:$0x3FBD] =	sst s2  }
0x8f: {  	_ = 	snop  }
0x90: {  	s2 =	sld [smem:$0x3FD0];
	_ =	sdelay $0x2  }
0x91: {  	s15 =	simm.s32 $0xA;
	s4 =	simm.s32 $0x10  }
0x92: {  	[smem:s4], [sflag:s15] =	dma.local [hbm:s2], $0x1  }
0x93: {  	_ =	swait.eq [sflag:s15], $0x1  }
0x94: {  	[sflag:s15] =	ssyncset.done $0x0  }
0x95: {  	[sflag:s15] =	ssyncadd.s32 $0xFFFFFFFF  }
0x96: {  	s16 =	sld [smem:$0x11];
	(tm) =	ssettm $0x1  }
0x97: {  	s17 =	sld [smem:$0x3FFB];
	_ =	sdelay $0x3  }
0x98: {  	_ =	strace s17  }
0x99: {  	s3 =	sld [smem:$0x3FFC];
	_ =	sdelay $0x3  }
0x9a: {  	_ =	strace s3  }
0x9b: {  	s3 =	sld [smem:$0x3FFD];
	_ =	sdelay $0x3  }
0x9c: {  	_ =	strace s3  }
0x9d: {  	_ =	strace $0x8FFFFFFF  }
0x9e: {  	s18 =	sld [smem:$0x3FDB];
	_ =	sdelay $0x1  }
0x9f: {  	s19 =	simm.s32 $_scs_section_size  }
0xa0: {  	s5 =	simm.s32 $_size__tile_overlayer_lowered;
	s6 =	simm.s32 $_tile_overlayer_lowered  }
0xa1: {  	s22 =	simm.s32 $0x1BFF;
	s21 =	sshll.u32 s6, $0x1;
	s3 =	sadd.s32 s19, s18  }
0xa2: {  	s7 =	simm.s32 $0x0;
	s20 =	sshll.u32 s5, $0x1;
	s5 =	sadd.s32 s21, s3  }
0xa3: {  	[timem:s7], [sflag:s22] =	dma.local [hbm:s5], s20  }
0xa4: {  	_ =	swait.ge [sflag:s22], s20  }
0xa5: {  	s4 =	ssub.s32 $0x0, s20;
	[sflag:s22] =	ssyncset.done $0x0  }
0xa6: {  	[sflag:s22] =	ssyncadd.s32 s4;
	_ =	sdelay $0x1  }
0xa7: {  	s23 =	simm.s32 $0x1B8B  }
0xa8: {  	_ =	swait.ge [sflag:s23], $0x1  }
0xa9: {  	[sflag:s23] =	ssyncset.done $0x0  }
0xaa: {  	s25 =	simm.s32 $0x1B8E;
	s24 =	sld [smem:$0x3FFE];
	[sflag:s23] =	ssyncadd.s32 $0xFFFFFFFF  }
0xab: {  	s26 =	simm.s32 $execute0_lowered;
	[smem:$0x3FD2] =	sst s25  }
0xac: {  	s5 =	sshll.u32 s26, $0x1;
	_ =	strace $0x80000046;
	[dreg:$0x1] =	wrdreg $0xFFFFFFFF  }
0xad: {  	s28 =	simm.s32 $_size_execute0_lowered;
	s3 =	sadd.s32 s3, s5;
	[dreg:$0x0] =	wrdreg $0x0  }
0xae: {  	s5 =	sshll.u32 s28, $0x1;
	[dreg:$0x2] =	wrdreg s3  }
0xaf: {  	[dreg:$0x3] =	wrdreg s5  }
0xb0: {  	[dreg:$0x4] =	wrdreg $0xC0  }
0xb1: {  	_ =	task [dreg:s7], $0x5FFFF  }
0xb2: {  	[dreg:$0x1] =	wrdreg $0xFFFFFFFF  }
0xb3: {  	[dreg:$0x0] =	wrdreg $0x60  }
0xb4: {  	[dreg:$0x2] =	wrdreg s16  }
0xb5: {  	[dreg:$0x3] =	wrdreg s24  }
0xb6: {  	[dreg:$0x4] =	wrdreg $0x9  }
0xb7: {  	_ =	task.clear_ibuf [dreg:s7], $0x5FFFF;
	_ =	strace $0x90000046  }
0xb8: {  	s29 =	simm.s32 $0x9;
	_ =	strace $0x80000048  }
0xb9: {  	_ =	swait.ge [sflag:s29], $0x1  }
0xba: {  	[sflag:s29] =	ssyncadd.s32 $0xFFFFFFFF  }
0xbb: {  	_ =	strace $0x90000048  }
0xbc: {  	_ =	sfence  }
0xbd: {  	s30 =	sld [smem:$0x0];
	_ =	sdelay $0x2  }
0xbe: {  	s31 =	sshll.u32 s1, $0xD;
	s1 =	sshrl.u32 s1, $0x2  }
0xbf: {  	s3 =	sand.u32 $0x4000, s31;
	s1 =	sadd.s32 s1, s30  }
0xc0: {  	s0 =	sor.u32 s3, s0;
	s1 =	sshll.u32 s1, $0x11  }
0xc1: {  	s0 =	sor.u32 s1, s0  }
0xc2: {  	s0 =	sadd.s32 $0x8F2B, s0  }
0xc3: {  	[sflag:s0] =	ssyncadd.remote.s32 $0x1  }
0xc4: {  	_ =	sfence.sel $0xFFFF  }
0xc5: {  	[dreg:$0x0] =	wrdreg $0xFFFFFFFF;
	(pc) =	sbr.abs _section_cstart, $3  }
0xc6: {  	[dreg:$0x1] =	wrdreg $0xFFFFFFFF  }
0xc7: {  	_ =	task.clear_ibuf [dreg:s7], $0x2FFFF;
	_ =	strace $0x9FFFFFFF  }
0xc8: {  	(tm) =	ssettm $0x7FFFFFFF  }
0xc9: {  	_ =	shalt  }
tec
execute0_lowered:
.L_overlay_start_1:
0x0: {  	(tag) =	ssettag $0x1  }
0x1: {  	s3 =	rddreg [dreg:$0x0]  }
0x2: {  	s5 =	rddreg [dreg:$0x1]  }
0x3: {  	s0 =	rddreg [dreg:$0x2];
	s4 =	srdreg.scid  }
0x4: {  	s2 =	simm.s32 $0x0;
	s1 =	stileid.u32;
	s4 =	sand.u32 $0x1, s4  }
0x5: {  	s6 =	sshll.u32 s1, $0x8;
	s7 =	sshll.u32 s4, $0x7;
	s30 =	ssub.s32 $0x2, s4  }
0x6: {  	[smem:$0x7FF] =	sst s2;
	s6 =	sor.u32 s7, s6;
	s8 =	sshrl.u32 s30, $0x1  }
0x7: {  	_ =	strace $0x80000047;
	s4 =	sadd.s32 s3, s6;
	s31 =	ssub.s32 s30, s8  }
0x8: {  	[tilespmem:s2], [sflag:$0x1] =	stream.linear.gather [hbm4b:s4+s2], $0x400, $0x38;
	[tilespmem:$0x400] =	vst v63  }
0x9: {  	s3 =	simm.s32 $0x1;
	s5 =	sadd.s32 s6, s5;
	s6 =	smax.u32 s31, $0x1  }
0xa: {  	_ =	swait.ge [sflag:s3], $0x400;
	p0 =	sne.s32 s6, $0x1  }
.Ltmp0:
0xb: {  	[sflag:s3] =	ssyncset.done $0x0;
	(pc) =	sbr.rel @!p0 .LBB2_2-.Ltmp0, $4  }
0xc: {  	s5 =	sadd.s32 $0x1E00, s5;
	[sflag:s3] =	ssyncadd.s32 $0xFFFFFC00  }
0xd: {  	[hbm4b:s5+s2] =	stream.linear.scatter [tilespmem:s2], [sflag:$0x1], $0x400, $0x38;
	[tilespmem:$0x400] =	vst v63  }
0xe: {  	_ =	swait.ge [sflag:s3], $0x400  }
0xf: {  	s6 =	sadd.s32 $0xFFFFFFFF, s6;
	[sflag:s3] =	ssyncset.done $0x0  }
.LBB2_1:
0x10: {  	p0 =	sne.s32 s6, $0x1;
	s6 =	sadd.s32 $0xFFFFFFFF, s6;
	[sflag:s3] =	ssyncadd.s32 $0xFFFFFC00  }
0x11: {  	[tilespmem:s2], [sflag:$0x1] =	stream.linear.gather [hbm4b:s4+s2], $0x400, $0x38;
	[tilespmem:$0x400] =	vst v63  }
0x12: {  	_ =	swait.ge [sflag:s3], $0x400  }
.Ltmp1:
0x13: {  	[sflag:s3] =	ssyncset.done $0x0;
	(pc) =	sbr.rel @p0 .LBB2_1-.Ltmp1, $4  }
0x14: {  	[sflag:s3] =	ssyncadd.s32 $0xFFFFFC00  }
0x15: {  	[hbm4b:s5+s2] =	stream.linear.scatter [tilespmem:s2], [sflag:$0x1], $0x400, $0x38;
	[tilespmem:$0x400] =	vst v63  }
0x16: {  	_ =	swait.ge [sflag:s3], $0x400  }
0x17: {  	[sflag:s3] =	ssyncset.done $0x0  }
.LBB2_2:
0x18: {  	[sflag:s3] =	ssyncadd.s32 $0xFFFFFC00  }
0x19: {  	_ =	sfence.sel $0x180000  }
0x1a: {  	[bflag:$0x0] =	sbarrier.arrive $0xFFFF  }
0x1b: {  	p0 =	sne.s32 s1, $0x0;
	_ =	strace $0x90000047  }
0x1c: {  	s0 =	sadd.s32 @!p0 $0x100000, s0;
	[bflag:$0x2] =	sbarrier.arrive $0xFFFF  }
0x1d: {  	[sflag:s0] =	ssyncadd.tile.s32 @!p0 $0x1;
	_ =	shalt  }
.Lfunc_end2:
_tile_overlayer_lowered:
.L_overlay_start_2:
0x1e: {  	(tag) =	ssettag $0x2  }
0x1f: {  	s0 =	rddreg [dreg:$0x0];
	s2 =	stileid.u32  }
0x20: {  	s1 =	rddreg [dreg:$0x1];
	p0 =	sne.s32 s2, $0x0  }
0x21: {  	s3 =	rddreg [dreg:$0x2];
	[bflag:$0x3] =	sbarrier.arrive $0xFFFF;
	s2 =	simm.s32 @!p0 $0x1C01  }
0x22: {  	[timem:s3], [sflag:s2] =	dma.local @!p0 [hbm:s0], s1  }
0x23: {  	s0 =	simm.s32 @!p0 $0x1  }
0x24: {  	_ =	swait.ge @!p0 [sflag:s0], s1  }
0x25: {  	s1 =	ssub.s32 @!p0 $0x0, s1;
	[sflag:s0] =	ssyncset.done @!p0 $0x0  }
0x26: {  	[sflag:s0] =	ssyncadd.s32 @!p0 s1  }
0x27: {  	[bflag:$0x3] =	sbarrier.arrive $0xFFFF  }
0x28: {  	_ =	shalt  }

</sc_bundles>
